<compile_context>
chip_gen: v7x
topology: tpu7x:2x2x1
jax: 0.10.2.dev20260603
libtpu: 0.0.44.dev20260713+nightly
codegen_flags: <defaults>
</compile_context>

<pallas_src>
import functools

import jax
import jax.numpy as jnp
from jax import lax
from jax.experimental import pallas as pl
from jax.experimental.pallas import tpu as pltpu
from jax.experimental.pallas import tpu_sc as plsc

V = 100000
D = 300
DP = 320
B = 4096
CTX = 20

NW = 32
BPW = B // NW
ROWS_PW = BPW * CTX
CHUNK = 128
NCH = ROWS_PW // CHUNK


_RB = 2000


def _norm_body(e_ref, o_ref):
    xb = e_ref[...]
    n2 = jnp.sum(xb * xb, axis=1, keepdims=True)
    scale = jnp.minimum(1.0, lax.rsqrt(jnp.maximum(n2, 1e-24))) * (1.0 / CTX)
    o_ref[...] = jnp.concatenate(
        [xb * scale, jnp.zeros((xb.shape[0], DP - D), jnp.float32)], axis=1)


def _normalize(emb):
    return pl.pallas_call(
        _norm_body,
        grid=(V // _RB,),
        in_specs=[pl.BlockSpec((_RB, D), lambda i: (i, 0))],
        out_specs=pl.BlockSpec((_RB, DP), lambda i: (i, 0)),
        out_shape=jax.ShapeDtypeStruct((V, DP), jnp.float32),
    )(emb)


def _sc_pool_body(idx_hbm, dst_hbm, z_hbm, emb_hbm, x_hbm,
                  idx_v, dst_v, rows_v, acc_sh, sem):
    c = lax.axis_index("c")
    s = lax.axis_index("s")
    wid = c * 16 + s
    pltpu.sync_copy(z_hbm, acc_sh.at[pl.ds(s * BPW, BPW)])
    plsc.subcore_barrier()

    def step(j, carry):
        pltpu.sync_copy(idx_hbm.at[wid, j], idx_v)
        pltpu.sync_copy(dst_hbm.at[s, j], dst_v)
        pltpu.async_copy(emb_hbm.at[idx_v], rows_v, sem).wait()
        pltpu.sync_copy(rows_v, acc_sh.at[dst_v], add=True)
        return carry

    lax.fori_loop(0, NCH, step, 0)
    plsc.subcore_barrier()
    pltpu.sync_copy(acc_sh.at[pl.ds(s * BPW, BPW)],
                    x_hbm.at[pl.ds(wid * BPW, BPW)])


@functools.lru_cache(maxsize=None)
def _sc_pool():
    return pl.kernel(
        _sc_pool_body,
        out_type=jax.ShapeDtypeStruct((B, DP), jnp.float32),
        mesh=plsc.VectorSubcoreMesh(core_axis_name="c", subcore_axis_name="s"),
        compiler_params=pltpu.CompilerParams(use_tc_tiling_on_sc=False),
        scratch_types=[
            pltpu.VMEM((CHUNK,), jnp.int32),
            pltpu.VMEM((CHUNK,), jnp.int32),
            pltpu.VMEM((CHUNK, DP), jnp.float32),
            pltpu.VMEM_SHARED((16 * BPW, DP), jnp.float32),
            pltpu.SemaphoreType.DMA,
        ],
    )


_BN = 512
_NJF = V // _BN
_TAIL = V - _NJF * _BN
_NR = 4
_RH = B // _NR


def _mm_body(x_ref, wt_ref, b_ref, o_hbm, o_sc, sems):
    j = pl.program_id(0)
    slot = lax.rem(j, 2)

    def mk(i, col, sl):
        return pltpu.make_async_copy(
            o_sc.at[sl, pl.ds(i * _RH, _RH), :],
            o_hbm.at[pl.ds(i * _RH, _RH), pl.ds(col, _BN)],
            sems.at[sl, i])

    @pl.when(j >= 2)
    def _():
        for i in range(_NR):
            mk(i, 0, slot).wait()

    acc = lax.dot_general(
        x_ref[...], wt_ref[...], (((1,), (0,)), ((), ())),
        preferred_element_type=jnp.float32) + b_ref[...]
    o_sc[slot] = acc.astype(jnp.bfloat16)

    for i in range(_NR):
        mk(i, j * _BN, slot).start(priority=i % 2)

    @pl.when(j == _NJF - 1)
    def _():
        for i in range(_NR):
            mk(i, 0, slot).wait()
        for i in range(_NR):
            mk(i, 0, 1 - slot).wait()


def _mm_tail_body(o_in, x_ref, wt_ref, b_ref, o_ref):
    o_ref[...] = (
        lax.dot_general(
            x_ref[...], wt_ref[...], (((1,), (0,)), ((), ())),
            preferred_element_type=jnp.float32)
        + b_ref[...]
    ).astype(jnp.bfloat16)


def _matmul(x, Wt, b2):
    out = pl.pallas_call(
        _mm_body,
        grid=(_NJF,),
        in_specs=[
            pl.BlockSpec((B, D), lambda j: (0, 0)),
            pl.BlockSpec((D, _BN), lambda j: (0, j)),
            pl.BlockSpec((1, _BN), lambda j: (0, j)),
        ],
        out_specs=pl.BlockSpec(memory_space=pl.ANY),
        out_shape=jax.ShapeDtypeStruct((B, V), jnp.bfloat16),
        scratch_shapes=[
            pltpu.VMEM((2, B, _BN), jnp.bfloat16),
            pltpu.SemaphoreType.DMA((2, _NR)),
        ],
        compiler_params=pltpu.CompilerParams(
            vmem_limit_bytes=100 * 1024 * 1024),
    )(x, Wt, b2)
    return pl.pallas_call(
        _mm_tail_body,
        grid=(1,),
        in_specs=[
            pl.BlockSpec(memory_space=pl.ANY),
            pl.BlockSpec((B, D), lambda i: (0, 0)),
            pl.BlockSpec((D, _BN), lambda i: (0, _NJF)),
            pl.BlockSpec((1, _BN), lambda i: (0, _NJF)),
        ],
        out_specs=pl.BlockSpec((B, _BN), lambda i: (0, _NJF)),
        out_shape=jax.ShapeDtypeStruct((B, V), jnp.bfloat16),
        input_output_aliases={0: 0},
    )(out, x, Wt, b2)


def kernel(inputs_, emb_table, W, b):
    emb_n = _normalize(emb_table)
    idxg = inputs_.astype(jnp.int32).reshape(NW, NCH, CHUNK)
    dst = ((lax.iota(jnp.int32, ROWS_PW) // CTX).reshape(1, NCH, CHUNK)
           + BPW * lax.iota(jnp.int32, 16).reshape(16, 1, 1))
    z = jnp.zeros((BPW, DP), jnp.float32)
    x = _sc_pool()(idxg, dst, z, emb_n)
    return _matmul(x[:, :D].astype(jnp.bfloat16),
                   W.T.astype(jnp.bfloat16),
                   b.reshape(1, V)).astype(jnp.float32)

# --- scband reference (transcript-rebuilt; emitter-appended) ---
"""Pipeline reference for scband-cbow-model-61100204753321 (READ-ONLY COPY).

The authoritative reference and input builder live on the scoring server;
editing this copy changes nothing except your own understanding.
"""

import jax, jax.numpy as jnp
import numpy as np

VOCAB = 100000
EMBED_DIMENSION = 300
EMBED_MAX_NORM = 1.0
BATCH = 4096
CTX = 20

def setup_inputs(seed: int = 0) -> dict:
    key = jax.random.key(seed)
    k1, k2, k3 = jax.random.split(key, 3)
    inputs_ = jax.random.randint(k1, (BATCH, CTX), 0, VOCAB, dtype=jnp.int64 if jax.config.jax_enable_x64 else jnp.int32)
    emb_table = jax.random.normal(k2, (VOCAB, EMBED_DIMENSION), dtype=jnp.float32) * 0.02
    W = jax.random.normal(k3, (VOCAB, EMBED_DIMENSION), dtype=jnp.float32) * (1.0 / np.sqrt(EMBED_DIMENSION))
    b = jnp.zeros((VOCAB,), dtype=jnp.float32)
    return {"inputs_": inputs_, "emb_table": emb_table, "W": W, "b": b}

def reference(inputs_, emb_table, W, b):
    # nn.Embedding with max_norm=1: gathered rows are renormalized so that
    # their L2 norm does not exceed EMBED_MAX_NORM.
    rows = jnp.take(emb_table, inputs_, axis=0)  # [B, CTX, D]
    norms = jnp.linalg.norm(rows, axis=-1, keepdims=True)
    scale = jnp.minimum(1.0, EMBED_MAX_NORM / jnp.maximum(norms, 1e-12))
    rows = rows * scale
    x = rows.mean(axis=1)  # [B, D]
    logits = x @ W.T + b   # [B, VOCAB]
    return logits

if __name__ == "__main__":
    import jax
    _d = setup_inputs()
    print(jax.jit(kernel)(*tuple(_d.values())))

</pallas_src>

<mosaic_0001>
#map = affine_map<(d0, d1) -> (0, 0, 0)>
#map1 = affine_map<(d0, d1) -> (0, 0)>
module attributes {stable_mosaic.version = 14 : i64} {
  func.func @_sc_pool_body(%arg0: i32, %arg1: i32, %arg2: memref<32x20x128xi32, #tpu.memory_space<hbm>>, %arg3: memref<16x20x128xi32, #tpu.memory_space<hbm>>, %arg4: memref<128x320xf32, #tpu.memory_space<hbm>>, %arg5: memref<100000x320xf32, #tpu.memory_space<hbm>>, %arg6: memref<4096x320xf32, #tpu.memory_space<hbm>>, %arg7: memref<128xi32, #tpu.memory_space<vmem>>, %arg8: memref<128xi32, #tpu.memory_space<vmem>>, %arg9: memref<128x320xf32, #tpu.memory_space<vmem>>, %arg10: memref<2048x320xf32, #tpu.memory_space<vmem_shared>>, %arg11: memref<!tpu.dma_semaphore, #tpu.memory_space<semaphore_mem>>) attributes {dimension_semantics = [#tpu.dimension_semantics<core_parallel>, #tpu.dimension_semantics<subcore_parallel>], iteration_bounds = array<i64: 2, 16>, scalar_prefetch = 0 : i64, scratch_operands = 5 : i64, tpu.core_type = #tpu.core_type<sc_vector_subcore>, window_params = [{transform_indices = #map}, {transform_indices = #map}, {transform_indices = #map1}, {transform_indices = #map1}, {transform_indices = #map1}]} {
    %mul3A = arith.constant 16 : i32
    %mul3A_0 = arith.muli %arg0, %mul3A : i32
    %add3A = arith.addi %mul3A_0, %arg1 : i32
    %mul3A_1 = arith.constant 128 : i32
    %mul3A_2 = arith.muli %arg1, %mul3A_1 : i32
    "tpu.region"() ({
      %run_scoped3A = tpu.sem_alloc : memref<!tpu.dma_semaphore, #tpu.memory_space<semaphore_mem>>
      %dma_start3A = arith.constant 0 : i32
      %dma_start3A_13 = tpu.memref_slice %arg10[%mul3A_2, %dma_start3A] : memref<2048x320xf32, #tpu.memory_space<vmem_shared>> -> memref<128x320xf32, #tpu.memory_space<vmem_shared>>
      tpu.enqueue_dma source(%arg4 : memref<128x320xf32, #tpu.memory_space<hbm>>) target(%dma_start3A_13 : memref<128x320xf32, #tpu.memory_space<vmem_shared>>) target_semaphore(%run_scoped3A : memref<!tpu.dma_semaphore, #tpu.memory_space<semaphore_mem>>)
      %dma_wait3A = arith.constant 0 : i32
      %dma_wait3A_14 = tpu.memref_slice %arg10[%mul3A_2, %dma_wait3A] : memref<2048x320xf32, #tpu.memory_space<vmem_shared>> -> memref<128x320xf32, #tpu.memory_space<vmem_shared>>
      tpu.wait_dma2 semaphore(%run_scoped3A : memref<!tpu.dma_semaphore, #tpu.memory_space<semaphore_mem>>) src(%arg4 : memref<128x320xf32, #tpu.memory_space<hbm>>) dst(%dma_wait3A_14 : memref<128x320xf32, #tpu.memory_space<vmem_shared>>)
      tpu.yield
    }) : () -> ()
    %barrier3A = arith.constant 0 : index
    tpu.barrier barrier_id(%barrier3A)
    %scan3A = arith.constant 0 : i32
    %scan3A_3 = arith.constant 0 : i32
    %scan3A_4 = arith.constant 20 : i32
    %scan3A_5 = arith.addi %scan3A_3, %scan3A_4 : i32
    %scan3A_6 = arith.constant 1 : i32
    scf.for %scan3A_13 = %scan3A_3 to %scan3A_5 step %scan3A_6  : i32 {
      "tpu.region"() ({
        %run_scoped3A = tpu.sem_alloc : memref<!tpu.dma_semaphore, #tpu.memory_space<semaphore_mem>>
        %dma_start3A_18 = arith.constant 0 : i32
        %dma_start3A_19 = tpu.memref_slice %arg2[%add3A, %scan3A_13, %dma_start3A_18] : memref<32x20x128xi32, #tpu.memory_space<hbm>> -> memref<1x1x128xi32, #tpu.memory_space<hbm>>
        %dma_start3A_20 = tpu.memref_squeeze %dma_start3A_19 : memref<1x1x128xi32, #tpu.memory_space<hbm>> -> memref<128xi32, #tpu.memory_space<hbm>>
        %dma_start3A_21 = arith.constant 0 : i32
        %dma_start3A_22 = tpu.memref_slice %arg2[%add3A, %scan3A_13, %dma_start3A_21] : memref<32x20x128xi32, #tpu.memory_space<hbm>> -> memref<1x1x128xi32, #tpu.memory_space<hbm>>
        %dma_start3A_23 = tpu.memref_squeeze %dma_start3A_22 : memref<1x1x128xi32, #tpu.memory_space<hbm>> -> memref<128xi32, #tpu.memory_space<hbm>>
        tpu.enqueue_dma source(%dma_start3A_23 : memref<128xi32, #tpu.memory_space<hbm>>) target(%arg7 : memref<128xi32, #tpu.memory_space<vmem>>) target_semaphore(%run_scoped3A : memref<!tpu.dma_semaphore, #tpu.memory_space<semaphore_mem>>)
        %dma_wait3A_24 = arith.constant 0 : i32
        %dma_wait3A_25 = tpu.memref_slice %arg2[%add3A, %scan3A_13, %dma_wait3A_24] : memref<32x20x128xi32, #tpu.memory_space<hbm>> -> memref<1x1x128xi32, #tpu.memory_space<hbm>>
        %dma_wait3A_26 = tpu.memref_squeeze %dma_wait3A_25 : memref<1x1x128xi32, #tpu.memory_space<hbm>> -> memref<128xi32, #tpu.memory_space<hbm>>
        %dma_wait3A_27 = arith.constant 0 : i32
        %dma_wait3A_28 = tpu.memref_slice %arg2[%add3A, %scan3A_13, %dma_wait3A_27] : memref<32x20x128xi32, #tpu.memory_space<hbm>> -> memref<1x1x128xi32, #tpu.memory_space<hbm>>
        %dma_wait3A_29 = tpu.memref_squeeze %dma_wait3A_28 : memref<1x1x128xi32, #tpu.memory_space<hbm>> -> memref<128xi32, #tpu.memory_space<hbm>>
        tpu.wait_dma2 semaphore(%run_scoped3A : memref<!tpu.dma_semaphore, #tpu.memory_space<semaphore_mem>>) src(%dma_wait3A_29 : memref<128xi32, #tpu.memory_space<hbm>>) dst(%arg7 : memref<128xi32, #tpu.memory_space<vmem>>)
        tpu.yield
      }) : () -> ()
      "tpu.region"() ({
        %run_scoped3A = tpu.sem_alloc : memref<!tpu.dma_semaphore, #tpu.memory_space<semaphore_mem>>
        %dma_start3A_18 = arith.constant 0 : i32
        %dma_start3A_19 = tpu.memref_slice %arg3[%arg1, %scan3A_13, %dma_start3A_18] : memref<16x20x128xi32, #tpu.memory_space<hbm>> -> memref<1x1x128xi32, #tpu.memory_space<hbm>>
        %dma_start3A_20 = tpu.memref_squeeze %dma_start3A_19 : memref<1x1x128xi32, #tpu.memory_space<hbm>> -> memref<128xi32, #tpu.memory_space<hbm>>
        %dma_start3A_21 = arith.constant 0 : i32
        %dma_start3A_22 = tpu.memref_slice %arg3[%arg1, %scan3A_13, %dma_start3A_21] : memref<16x20x128xi32, #tpu.memory_space<hbm>> -> memref<1x1x128xi32, #tpu.memory_space<hbm>>
        %dma_start3A_23 = tpu.memref_squeeze %dma_start3A_22 : memref<1x1x128xi32, #tpu.memory_space<hbm>> -> memref<128xi32, #tpu.memory_space<hbm>>
        tpu.enqueue_dma source(%dma_start3A_23 : memref<128xi32, #tpu.memory_space<hbm>>) target(%arg8 : memref<128xi32, #tpu.memory_space<vmem>>) target_semaphore(%run_scoped3A : memref<!tpu.dma_semaphore, #tpu.memory_space<semaphore_mem>>)
        %dma_wait3A_24 = arith.constant 0 : i32
        %dma_wait3A_25 = tpu.memref_slice %arg3[%arg1, %scan3A_13, %dma_wait3A_24] : memref<16x20x128xi32, #tpu.memory_space<hbm>> -> memref<1x1x128xi32, #tpu.memory_space<hbm>>
        %dma_wait3A_26 = tpu.memref_squeeze %dma_wait3A_25 : memref<1x1x128xi32, #tpu.memory_space<hbm>> -> memref<128xi32, #tpu.memory_space<hbm>>
        %dma_wait3A_27 = arith.constant 0 : i32
        %dma_wait3A_28 = tpu.memref_slice %arg3[%arg1, %scan3A_13, %dma_wait3A_27] : memref<16x20x128xi32, #tpu.memory_space<hbm>> -> memref<1x1x128xi32, #tpu.memory_space<hbm>>
        %dma_wait3A_29 = tpu.memref_squeeze %dma_wait3A_28 : memref<1x1x128xi32, #tpu.memory_space<hbm>> -> memref<128xi32, #tpu.memory_space<hbm>>
        tpu.wait_dma2 semaphore(%run_scoped3A : memref<!tpu.dma_semaphore, #tpu.memory_space<semaphore_mem>>) src(%dma_wait3A_29 : memref<128xi32, #tpu.memory_space<hbm>>) dst(%arg8 : memref<128xi32, #tpu.memory_space<vmem>>)
        tpu.yield
      }) : () -> ()
      %dma_start3A = arith.constant 0 : i32
      %dma_start3A_14 = arith.constant 0 : i32
      %dma_start3A_15 = tpu.memref_slice %arg5[%dma_start3A, %dma_start3A_14] : memref<100000x320xf32, #tpu.memory_space<hbm>> -> memref<100000x320xf32, #tpu.memory_space<hbm>>
      tpu.enqueue_indirect_dma source(%dma_start3A_15 : memref<100000x320xf32, #tpu.memory_space<hbm>>) target(%arg9 : memref<128x320xf32, #tpu.memory_space<vmem>>) offsets(%arg7 : memref<128xi32, #tpu.memory_space<vmem>>) semaphore(%arg11 : memref<!tpu.dma_semaphore, #tpu.memory_space<semaphore_mem>>)
      %dma_wait3A = arith.constant 0 : i32
      %dma_wait3A_16 = arith.constant 0 : i32
      %dma_wait3A_17 = tpu.memref_slice %arg5[%dma_wait3A, %dma_wait3A_16] : memref<100000x320xf32, #tpu.memory_space<hbm>> -> memref<100000x320xf32, #tpu.memory_space<hbm>>
      tpu.wait_indirect_dma semaphore(%arg11 : memref<!tpu.dma_semaphore, #tpu.memory_space<semaphore_mem>>) src(%dma_wait3A_17 : memref<100000x320xf32, #tpu.memory_space<hbm>>) dst(%arg9 : memref<128x320xf32, #tpu.memory_space<vmem>>)
      "tpu.region"() ({
        %run_scoped3A = tpu.sem_alloc : memref<!tpu.dma_semaphore, #tpu.memory_space<semaphore_mem>>
        %dma_start3A_18 = arith.constant 0 : i32
        %dma_start3A_19 = arith.constant 0 : i32
        %dma_start3A_20 = tpu.memref_slice %arg10[%dma_start3A_18, %dma_start3A_19] : memref<2048x320xf32, #tpu.memory_space<vmem_shared>> -> memref<2048x320xf32, #tpu.memory_space<vmem_shared>>
        tpu.enqueue_indirect_dma source(%arg9 : memref<128x320xf32, #tpu.memory_space<vmem>>) target(%dma_start3A_20 : memref<2048x320xf32, #tpu.memory_space<vmem_shared>>) offsets(%arg8 : memref<128xi32, #tpu.memory_space<vmem>>) semaphore(%run_scoped3A : memref<!tpu.dma_semaphore, #tpu.memory_space<semaphore_mem>>) {add = true}
        %dma_wait3A_21 = arith.constant 0 : i32
        %dma_wait3A_22 = arith.constant 0 : i32
        %dma_wait3A_23 = tpu.memref_slice %arg10[%dma_wait3A_21, %dma_wait3A_22] : memref<2048x320xf32, #tpu.memory_space<vmem_shared>> -> memref<2048x320xf32, #tpu.memory_space<vmem_shared>>
        tpu.wait_indirect_dma semaphore(%run_scoped3A : memref<!tpu.dma_semaphore, #tpu.memory_space<semaphore_mem>>) src(%arg9 : memref<128x320xf32, #tpu.memory_space<vmem>>) dst(%dma_wait3A_23 : memref<2048x320xf32, #tpu.memory_space<vmem_shared>>)
        tpu.yield
      }) : () -> ()
    }
    %scan3A_7 = arith.constant 20 : i32
    %barrier3A_8 = arith.constant 0 : index
    tpu.barrier barrier_id(%barrier3A_8)
    %mul3A_9 = arith.constant 128 : i32
    %mul3A_10 = arith.muli %arg1, %mul3A_9 : i32
    %mul3A_11 = arith.constant 128 : i32
    %mul3A_12 = arith.muli %add3A, %mul3A_11 : i32
    "tpu.region"() ({
      %run_scoped3A = tpu.sem_alloc : memref<!tpu.dma_semaphore, #tpu.memory_space<semaphore_mem>>
      %dma_start3A = arith.constant 0 : i32
      %dma_start3A_13 = tpu.memref_slice %arg6[%mul3A_12, %dma_start3A] : memref<4096x320xf32, #tpu.memory_space<hbm>> -> memref<128x320xf32, #tpu.memory_space<hbm>>
      %dma_start3A_14 = arith.constant 0 : i32
      %dma_start3A_15 = tpu.memref_slice %arg10[%mul3A_10, %dma_start3A_14] : memref<2048x320xf32, #tpu.memory_space<vmem_shared>> -> memref<128x320xf32, #tpu.memory_space<vmem_shared>>
      tpu.enqueue_dma source(%dma_start3A_15 : memref<128x320xf32, #tpu.memory_space<vmem_shared>>) target(%dma_start3A_13 : memref<128x320xf32, #tpu.memory_space<hbm>>) target_semaphore(%run_scoped3A : memref<!tpu.dma_semaphore, #tpu.memory_space<semaphore_mem>>)
      %dma_wait3A = arith.constant 0 : i32
      %dma_wait3A_16 = tpu.memref_slice %arg6[%mul3A_12, %dma_wait3A] : memref<4096x320xf32, #tpu.memory_space<hbm>> -> memref<128x320xf32, #tpu.memory_space<hbm>>
      %dma_wait3A_17 = arith.constant 0 : i32
      %dma_wait3A_18 = tpu.memref_slice %arg10[%mul3A_10, %dma_wait3A_17] : memref<2048x320xf32, #tpu.memory_space<vmem_shared>> -> memref<128x320xf32, #tpu.memory_space<vmem_shared>>
      tpu.wait_dma2 semaphore(%run_scoped3A : memref<!tpu.dma_semaphore, #tpu.memory_space<semaphore_mem>>) src(%dma_wait3A_18 : memref<128x320xf32, #tpu.memory_space<vmem_shared>>) dst(%dma_wait3A_16 : memref<128x320xf32, #tpu.memory_space<hbm>>)
      tpu.yield
    }) : () -> ()
    return
  }
}

module attributes {stable_mosaic.version = 14 : i64} {
  func.func @_norm_body(%arg0: i32, %arg1: memref<2000x300xf32, #tpu.memory_space<vmem>>, %arg2: memref<2000x320xf32, #tpu.memory_space<vmem>>) attributes {dimension_semantics = [#tpu.dimension_semantics<arbitrary>], iteration_bounds = array<i64: 50>, scalar_prefetch = 0 : i64, scratch_operands = 0 : i64, tpu.core_type = #tpu.core_type<tc>, window_params = [{transform_indices = @transform_0, window_bounds = array<i64: 2000, 300>}, {transform_indices = @transform_1, window_bounds = array<i64: 2000, 320>}]} {
    %get3A = arith.constant 0 : index
    %get3A_0 = arith.constant 0 : index
    %get3A_1 = vector.load %arg1[%get3A, %get3A_0] : memref<2000x300xf32, #tpu.memory_space<vmem>>, vector<2000x300xf32>
    %mul3A = arith.mulf %get3A_1, %get3A_1 : vector<2000x300xf32>
    %reduce_sum3A = arith.constant dense<0.000000e+00> : vector<2000xf32>
    %reduce_sum3A_2 = vector.multi_reduction <add>, %mul3A, %reduce_sum3A [1] : vector<2000x300xf32> to vector<2000xf32>
    %broadcast_in_dim3A = vector.shape_cast %reduce_sum3A_2 : vector<2000xf32> to vector<2000x1xf32>
    %max3A = arith.constant 1.000000e-24 : f32
    %max3A_3 = vector.broadcast %max3A : f32 to vector<2000x1xf32>
    %max3A_4 = arith.maximumf %broadcast_in_dim3A, %max3A_3 : vector<2000x1xf32>
    %rsqrt3A = math.rsqrt %max3A_4 : vector<2000x1xf32>
    %min3A = arith.constant 1.000000e+00 : f32
    %min3A_5 = vector.broadcast %min3A : f32 to vector<2000x1xf32>
    %min3A_6 = arith.minimumf %min3A_5, %rsqrt3A : vector<2000x1xf32>
    %mul3A_7 = arith.constant 5.000000e-02 : f32
    %mul3A_8 = vector.broadcast %mul3A_7 : f32 to vector<2000x1xf32>
    %mul3A_9 = arith.mulf %min3A_6, %mul3A_8 : vector<2000x1xf32>
    %mul3A_10 = vector.broadcast %mul3A_9 : vector<2000x1xf32> to vector<2000x300xf32>
    %mul3A_11 = arith.mulf %get3A_1, %mul3A_10 : vector<2000x300xf32>
    %broadcast_in_dim3A_12 = arith.constant 0.000000e+00 : f32
    %broadcast_in_dim3A_13 = vector.broadcast %broadcast_in_dim3A_12 : f32 to vector<2000x20xf32>
    %concatenate3A = tpu.concatenate %mul3A_11, %broadcast_in_dim3A_13 in 1 : vector<2000x300xf32>, vector<2000x20xf32> -> vector<2000x320xf32>
    %swap3A = arith.constant 0 : index
    %swap3A_14 = arith.constant 0 : index
    %swap3A_15 = vector.load %arg2[%swap3A, %swap3A_14] : memref<2000x320xf32, #tpu.memory_space<vmem>>, vector<2000x320xf32>
    tpu.vector_store %arg2[%swap3A, %swap3A_14], %concatenate3A {strides = array<i32>} : memref<2000x320xf32, #tpu.memory_space<vmem>>, vector<2000x320xf32>,
    return
  }
  func.func @transform_0(%arg0: i32) -> (i32, i32) {
    %c0_i32 = arith.constant 0 : i32
    %c0_i32_0 = arith.constant 0 : i32
    return %arg0, %c0_i32 : i32, i32
  }
  func.func @transform_1(%arg0: i32) -> (i32, i32) {
    %c0_i32 = arith.constant 0 : i32
    %c0_i32_0 = arith.constant 0 : i32
    return %arg0, %c0_i32 : i32, i32
  }
}

module attributes {stable_mosaic.version = 14 : i64} {
  func.func @_mm_body(%arg0: i32, %arg1: memref<4096x300xbf16, #tpu.memory_space<vmem>>, %arg2: memref<300x512xbf16, #tpu.memory_space<vmem>>, %arg3: memref<1x512xf32, #tpu.memory_space<vmem>>, %arg4: memref<4096x100000xbf16, #tpu.memory_space<any>>, %arg5: memref<2x4096x512xbf16, #tpu.memory_space<vmem>>, %arg6: memref<2x4x!tpu.dma_semaphore, #tpu.memory_space<semaphore_mem>>) attributes {dimension_semantics = [#tpu.dimension_semantics<arbitrary>], iteration_bounds = array<i64: 195>, scalar_prefetch = 0 : i64, scratch_operands = 2 : i64, tpu.core_type = #tpu.core_type<tc>, window_params = [{pipeline_mode = #tpu.pipeline_mode<synchronous>, transform_indices = @transform_0, window_bounds = array<i64: 4096, 300>}, {transform_indices = @transform_1, window_bounds = array<i64: 300, 512>}, {transform_indices = @transform_2, window_bounds = array<i64: 1, 512>}, {}]} {
    %rem3A = arith.constant 2 : i32
    %rem3A_0 = arith.remsi %arg0, %rem3A : i32
    %ge3A = arith.constant 2 : i32
    %ge3A_1 = arith.cmpi sge, %arg0, %ge3A : i32
    %convert_element_type3A = arith.extui %ge3A_1 : i1 to i32
    %cond3A = arith.constant 0 : i32
    %cond3A_2 = arith.cmpi ne, %convert_element_type3A, %cond3A : i32
    scf.if %cond3A_2 {
      %dma_wait3A = arith.constant 0 : i32
      %dma_wait3A_65 = tpu.memref_slice %arg6[%rem3A_0, %dma_wait3A] : memref<2x4x!tpu.dma_semaphore, #tpu.memory_space<semaphore_mem>> -> memref<1x1x!tpu.dma_semaphore, #tpu.memory_space<semaphore_mem>>
      %dma_wait3A_66 = tpu.memref_squeeze %dma_wait3A_65 : memref<1x1x!tpu.dma_semaphore, #tpu.memory_space<semaphore_mem>> -> memref<!tpu.dma_semaphore, #tpu.memory_space<semaphore_mem>>
      %dma_wait3A_67 = arith.constant 0 : i32
      %dma_wait3A_68 = arith.constant 0 : i32
      %dma_wait3A_69 = tpu.memref_slice %arg4[%dma_wait3A_67, %dma_wait3A_68] : memref<4096x100000xbf16, #tpu.memory_space<any>> -> memref<1024x512xbf16, #tpu.memory_space<any>>
      %dma_wait3A_70 = arith.constant 0 : i32
      %dma_wait3A_71 = arith.constant 0 : i32
      %dma_wait3A_72 = tpu.memref_slice %arg5[%rem3A_0, %dma_wait3A_70, %dma_wait3A_71] : memref<2x4096x512xbf16, #tpu.memory_space<vmem>> -> memref<1x1024x512xbf16, #tpu.memory_space<vmem>>
      %dma_wait3A_73 = tpu.memref_squeeze %dma_wait3A_72 : memref<1x1024x512xbf16, #tpu.memory_space<vmem>> -> memref<1024x512xbf16, #tpu.memory_space<vmem>>
      tpu.wait_dma2 semaphore(%dma_wait3A_66 : memref<!tpu.dma_semaphore, #tpu.memory_space<semaphore_mem>>) src(%dma_wait3A_73 : memref<1024x512xbf16, #tpu.memory_space<vmem>>) dst(%dma_wait3A_69 : memref<1024x512xbf16, #tpu.memory_space<any>>)
      %dma_wait3A_74 = arith.constant 1 : i32
      %dma_wait3A_75 = tpu.memref_slice %arg6[%rem3A_0, %dma_wait3A_74] : memref<2x4x!tpu.dma_semaphore, #tpu.memory_space<semaphore_mem>> -> memref<1x1x!tpu.dma_semaphore, #tpu.memory_space<semaphore_mem>>
      %dma_wait3A_76 = tpu.memref_squeeze %dma_wait3A_75 : memref<1x1x!tpu.dma_semaphore, #tpu.memory_space<semaphore_mem>> -> memref<!tpu.dma_semaphore, #tpu.memory_space<semaphore_mem>>
      %dma_wait3A_77 = arith.constant 1024 : i32
      %dma_wait3A_78 = arith.constant 0 : i32
      %dma_wait3A_79 = tpu.memref_slice %arg4[%dma_wait3A_77, %dma_wait3A_78] : memref<4096x100000xbf16, #tpu.memory_space<any>> -> memref<1024x512xbf16, #tpu.memory_space<any>>
      %dma_wait3A_80 = arith.constant 1024 : i32
      %dma_wait3A_81 = arith.constant 0 : i32
      %dma_wait3A_82 = tpu.memref_slice %arg5[%rem3A_0, %dma_wait3A_80, %dma_wait3A_81] : memref<2x4096x512xbf16, #tpu.memory_space<vmem>> -> memref<1x1024x512xbf16, #tpu.memory_space<vmem>>
      %dma_wait3A_83 = tpu.memref_squeeze %dma_wait3A_82 : memref<1x1024x512xbf16, #tpu.memory_space<vmem>> -> memref<1024x512xbf16, #tpu.memory_space<vmem>>
      tpu.wait_dma2 semaphore(%dma_wait3A_76 : memref<!tpu.dma_semaphore, #tpu.memory_space<semaphore_mem>>) src(%dma_wait3A_83 : memref<1024x512xbf16, #tpu.memory_space<vmem>>) dst(%dma_wait3A_79 : memref<1024x512xbf16, #tpu.memory_space<any>>)
      %dma_wait3A_84 = arith.constant 2 : i32
      %dma_wait3A_85 = tpu.memref_slice %arg6[%rem3A_0, %dma_wait3A_84] : memref<2x4x!tpu.dma_semaphore, #tpu.memory_space<semaphore_mem>> -> memref<1x1x!tpu.dma_semaphore, #tpu.memory_space<semaphore_mem>>
      %dma_wait3A_86 = tpu.memref_squeeze %dma_wait3A_85 : memref<1x1x!tpu.dma_semaphore, #tpu.memory_space<semaphore_mem>> -> memref<!tpu.dma_semaphore, #tpu.memory_space<semaphore_mem>>
      %dma_wait3A_87 = arith.constant 2048 : i32
      %dma_wait3A_88 = arith.constant 0 : i32
      %dma_wait3A_89 = tpu.memref_slice %arg4[%dma_wait3A_87, %dma_wait3A_88] : memref<4096x100000xbf16, #tpu.memory_space<any>> -> memref<1024x512xbf16, #tpu.memory_space<any>>
      %dma_wait3A_90 = arith.constant 2048 : i32
      %dma_wait3A_91 = arith.constant 0 : i32
      %dma_wait3A_92 = tpu.memref_slice %arg5[%rem3A_0, %dma_wait3A_90, %dma_wait3A_91] : memref<2x4096x512xbf16, #tpu.memory_space<vmem>> -> memref<1x1024x512xbf16, #tpu.memory_space<vmem>>
      %dma_wait3A_93 = tpu.memref_squeeze %dma_wait3A_92 : memref<1x1024x512xbf16, #tpu.memory_space<vmem>> -> memref<1024x512xbf16, #tpu.memory_space<vmem>>
      tpu.wait_dma2 semaphore(%dma_wait3A_86 : memref<!tpu.dma_semaphore, #tpu.memory_space<semaphore_mem>>) src(%dma_wait3A_93 : memref<1024x512xbf16, #tpu.memory_space<vmem>>) dst(%dma_wait3A_89 : memref<1024x512xbf16, #tpu.memory_space<any>>)
      %dma_wait3A_94 = arith.constant 3 : i32
      %dma_wait3A_95 = tpu.memref_slice %arg6[%rem3A_0, %dma_wait3A_94] : memref<2x4x!tpu.dma_semaphore, #tpu.memory_space<semaphore_mem>> -> memref<1x1x!tpu.dma_semaphore, #tpu.memory_space<semaphore_mem>>
      %dma_wait3A_96 = tpu.memref_squeeze %dma_wait3A_95 : memref<1x1x!tpu.dma_semaphore, #tpu.memory_space<semaphore_mem>> -> memref<!tpu.dma_semaphore, #tpu.memory_space<semaphore_mem>>
      %dma_wait3A_97 = arith.constant 3072 : i32
      %dma_wait3A_98 = arith.constant 0 : i32
      %dma_wait3A_99 = tpu.memref_slice %arg4[%dma_wait3A_97, %dma_wait3A_98] : memref<4096x100000xbf16, #tpu.memory_space<any>> -> memref<1024x512xbf16, #tpu.memory_space<any>>
      %dma_wait3A_100 = arith.constant 3072 : i32
      %dma_wait3A_101 = arith.constant 0 : i32
      %dma_wait3A_102 = tpu.memref_slice %arg5[%rem3A_0, %dma_wait3A_100, %dma_wait3A_101] : memref<2x4096x512xbf16, #tpu.memory_space<vmem>> -> memref<1x1024x512xbf16, #tpu.memory_space<vmem>>
      %dma_wait3A_103 = tpu.memref_squeeze %dma_wait3A_102 : memref<1x1024x512xbf16, #tpu.memory_space<vmem>> -> memref<1024x512xbf16, #tpu.memory_space<vmem>>
      tpu.wait_dma2 semaphore(%dma_wait3A_96 : memref<!tpu.dma_semaphore, #tpu.memory_space<semaphore_mem>>) src(%dma_wait3A_103 : memref<1024x512xbf16, #tpu.memory_space<vmem>>) dst(%dma_wait3A_99 : memref<1024x512xbf16, #tpu.memory_space<any>>)
    } else {
    }
    %get3A = arith.constant 0 : index
    %get3A_3 = arith.constant 0 : index
    %get3A_4 = vector.load %arg1[%get3A, %get3A_3] : memref<4096x300xbf16, #tpu.memory_space<vmem>>, vector<4096x300xbf16>
    %get3A_5 = arith.constant 0 : index
    %get3A_6 = arith.constant 0 : index
    %get3A_7 = vector.load %arg2[%get3A_5, %get3A_6] : memref<300x512xbf16, #tpu.memory_space<vmem>>, vector<300x512xbf16>
    %dot_general3A = arith.constant dense<0.000000e+00> : vector<4096x512xf32>
    %dot_general3A_8 = tpu.matmul %get3A_4, %get3A_7, %dot_general3A {dimension_numbers = #tpu.dot_dimension_numbers<[1], [0], [0], [1], [0, 0, 1, 1], [], []>, transpose_lhs_hint = false} : vector<4096x300xbf16>, vector<300x512xbf16>, vector<4096x512xf32> -> vector<4096x512xf32>
    %get3A_9 = arith.constant 0 : index
    %get3A_10 = arith.constant 0 : index
    %get3A_11 = vector.load %arg3[%get3A_9, %get3A_10] : memref<1x512xf32, #tpu.memory_space<vmem>>, vector<1x512xf32>
    %add3A = vector.broadcast %get3A_11 : vector<1x512xf32> to vector<4096x512xf32>
    %add3A_12 = arith.addf %dot_general3A_8, %add3A : vector<4096x512xf32>
    %convert_element_type3A_13 = arith.truncf %add3A_12 : vector<4096x512xf32> to vector<4096x512xbf16>
    %swap3A = arith.index_cast %rem3A_0 : i32 to index
    %swap3A_14 = arith.constant 0 : index
    %swap3A_15 = arith.constant 0 : index
    %swap3A_16 = vector.load %arg5[%swap3A, %swap3A_14, %swap3A_15] : memref<2x4096x512xbf16, #tpu.memory_space<vmem>>, vector<1x4096x512xbf16>
    %swap3A_17 = vector.shape_cast %swap3A_16 : vector<1x4096x512xbf16> to vector<4096x512xbf16>
    %swap3A_18 = vector.shape_cast %convert_element_type3A_13 : vector<4096x512xbf16> to vector<1x4096x512xbf16>
    tpu.vector_store %arg5[%swap3A, %swap3A_14, %swap3A_15], %swap3A_18 {strides = array<i32>} : memref<2x4096x512xbf16, #tpu.memory_space<vmem>>, vector<1x4096x512xbf16>,
    %mul3A = arith.constant 512 : i32
    %mul3A_19 = arith.muli %arg0, %mul3A : i32
    %dma_start3A = arith.constant 0 : i32
    %dma_start3A_20 = tpu.memref_slice %arg6[%rem3A_0, %dma_start3A] : memref<2x4x!tpu.dma_semaphore, #tpu.memory_space<semaphore_mem>> -> memref<1x1x!tpu.dma_semaphore, #tpu.memory_space<semaphore_mem>>
    %dma_start3A_21 = tpu.memref_squeeze %dma_start3A_20 : memref<1x1x!tpu.dma_semaphore, #tpu.memory_space<semaphore_mem>> -> memref<!tpu.dma_semaphore, #tpu.memory_space<semaphore_mem>>
    %dma_start3A_22 = arith.constant 0 : i32
    %dma_start3A_23 = tpu.memref_slice %arg4[%dma_start3A_22, %mul3A_19] : memref<4096x100000xbf16, #tpu.memory_space<any>> -> memref<1024x512xbf16, #tpu.memory_space<any>>
    %dma_start3A_24 = arith.constant 0 : i32
    %dma_start3A_25 = arith.constant 0 : i32
    %dma_start3A_26 = tpu.memref_slice %arg5[%rem3A_0, %dma_start3A_24, %dma_start3A_25] : memref<2x4096x512xbf16, #tpu.memory_space<vmem>> -> memref<1x1024x512xbf16, #tpu.memory_space<vmem>>
    %dma_start3A_27 = tpu.memref_squeeze %dma_start3A_26 : memref<1x1024x512xbf16, #tpu.memory_space<vmem>> -> memref<1024x512xbf16, #tpu.memory_space<vmem>>
    tpu.enqueue_dma source(%dma_start3A_27 : memref<1024x512xbf16, #tpu.memory_space<vmem>>) target(%dma_start3A_23 : memref<1024x512xbf16, #tpu.memory_space<any>>) target_semaphore(%dma_start3A_21 : memref<!tpu.dma_semaphore, #tpu.memory_space<semaphore_mem>>)
    %mul3A_28 = arith.constant 512 : i32
    %mul3A_29 = arith.muli %arg0, %mul3A_28 : i32
    %dma_start3A_30 = arith.constant 1 : i32
    %dma_start3A_31 = tpu.memref_slice %arg6[%rem3A_0, %dma_start3A_30] : memref<2x4x!tpu.dma_semaphore, #tpu.memory_space<semaphore_mem>> -> memref<1x1x!tpu.dma_semaphore, #tpu.memory_space<semaphore_mem>>
    %dma_start3A_32 = tpu.memref_squeeze %dma_start3A_31 : memref<1x1x!tpu.dma_semaphore, #tpu.memory_space<semaphore_mem>> -> memref<!tpu.dma_semaphore, #tpu.memory_space<semaphore_mem>>
    %dma_start3A_33 = arith.constant 1024 : i32
    %dma_start3A_34 = tpu.memref_slice %arg4[%dma_start3A_33, %mul3A_29] : memref<4096x100000xbf16, #tpu.memory_space<any>> -> memref<1024x512xbf16, #tpu.memory_space<any>>
    %dma_start3A_35 = arith.constant 1024 : i32
    %dma_start3A_36 = arith.constant 0 : i32
    %dma_start3A_37 = tpu.memref_slice %arg5[%rem3A_0, %dma_start3A_35, %dma_start3A_36] : memref<2x4096x512xbf16, #tpu.memory_space<vmem>> -> memref<1x1024x512xbf16, #tpu.memory_space<vmem>>
    %dma_start3A_38 = tpu.memref_squeeze %dma_start3A_37 : memref<1x1024x512xbf16, #tpu.memory_space<vmem>> -> memref<1024x512xbf16, #tpu.memory_space<vmem>>
    tpu.enqueue_dma source(%dma_start3A_38 : memref<1024x512xbf16, #tpu.memory_space<vmem>>) target(%dma_start3A_34 : memref<1024x512xbf16, #tpu.memory_space<any>>) target_semaphore(%dma_start3A_32 : memref<!tpu.dma_semaphore, #tpu.memory_space<semaphore_mem>>) {priority = 1 : i32}
    %mul3A_39 = arith.constant 512 : i32
    %mul3A_40 = arith.muli %arg0, %mul3A_39 : i32
    %dma_start3A_41 = arith.constant 2 : i32
    %dma_start3A_42 = tpu.memref_slice %arg6[%rem3A_0, %dma_start3A_41] : memref<2x4x!tpu.dma_semaphore, #tpu.memory_space<semaphore_mem>> -> memref<1x1x!tpu.dma_semaphore, #tpu.memory_space<semaphore_mem>>
    %dma_start3A_43 = tpu.memref_squeeze %dma_start3A_42 : memref<1x1x!tpu.dma_semaphore, #tpu.memory_space<semaphore_mem>> -> memref<!tpu.dma_semaphore, #tpu.memory_space<semaphore_mem>>
    %dma_start3A_44 = arith.constant 2048 : i32
    %dma_start3A_45 = tpu.memref_slice %arg4[%dma_start3A_44, %mul3A_40] : memref<4096x100000xbf16, #tpu.memory_space<any>> -> memref<1024x512xbf16, #tpu.memory_space<any>>
    %dma_start3A_46 = arith.constant 2048 : i32
    %dma_start3A_47 = arith.constant 0 : i32
    %dma_start3A_48 = tpu.memref_slice %arg5[%rem3A_0, %dma_start3A_46, %dma_start3A_47] : memref<2x4096x512xbf16, #tpu.memory_space<vmem>> -> memref<1x1024x512xbf16, #tpu.memory_space<vmem>>
    %dma_start3A_49 = tpu.memref_squeeze %dma_start3A_48 : memref<1x1024x512xbf16, #tpu.memory_space<vmem>> -> memref<1024x512xbf16, #tpu.memory_space<vmem>>
    tpu.enqueue_dma source(%dma_start3A_49 : memref<1024x512xbf16, #tpu.memory_space<vmem>>) target(%dma_start3A_45 : memref<1024x512xbf16, #tpu.memory_space<any>>) target_semaphore(%dma_start3A_43 : memref<!tpu.dma_semaphore, #tpu.memory_space<semaphore_mem>>)
    %mul3A_50 = arith.constant 512 : i32
    %mul3A_51 = arith.muli %arg0, %mul3A_50 : i32
    %dma_start3A_52 = arith.constant 3 : i32
    %dma_start3A_53 = tpu.memref_slice %arg6[%rem3A_0, %dma_start3A_52] : memref<2x4x!tpu.dma_semaphore, #tpu.memory_space<semaphore_mem>> -> memref<1x1x!tpu.dma_semaphore, #tpu.memory_space<semaphore_mem>>
    %dma_start3A_54 = tpu.memref_squeeze %dma_start3A_53 : memref<1x1x!tpu.dma_semaphore, #tpu.memory_space<semaphore_mem>> -> memref<!tpu.dma_semaphore, #tpu.memory_space<semaphore_mem>>
    %dma_start3A_55 = arith.constant 3072 : i32
    %dma_start3A_56 = tpu.memref_slice %arg4[%dma_start3A_55, %mul3A_51] : memref<4096x100000xbf16, #tpu.memory_space<any>> -> memref<1024x512xbf16, #tpu.memory_space<any>>
    %dma_start3A_57 = arith.constant 3072 : i32
    %dma_start3A_58 = arith.constant 0 : i32
    %dma_start3A_59 = tpu.memref_slice %arg5[%rem3A_0, %dma_start3A_57, %dma_start3A_58] : memref<2x4096x512xbf16, #tpu.memory_space<vmem>> -> memref<1x1024x512xbf16, #tpu.memory_space<vmem>>
    %dma_start3A_60 = tpu.memref_squeeze %dma_start3A_59 : memref<1x1024x512xbf16, #tpu.memory_space<vmem>> -> memref<1024x512xbf16, #tpu.memory_space<vmem>>
    tpu.enqueue_dma source(%dma_start3A_60 : memref<1024x512xbf16, #tpu.memory_space<vmem>>) target(%dma_start3A_56 : memref<1024x512xbf16, #tpu.memory_space<any>>) target_semaphore(%dma_start3A_54 : memref<!tpu.dma_semaphore, #tpu.memory_space<semaphore_mem>>) {priority = 1 : i32}
    %eq3A = arith.constant 194 : i32
    %eq3A_61 = arith.cmpi eq, %arg0, %eq3A : i32
    %convert_element_type3A_62 = arith.extui %eq3A_61 : i1 to i32
    %cond3A_63 = arith.constant 0 : i32
    %cond3A_64 = arith.cmpi ne, %convert_element_type3A_62, %cond3A_63 : i32
    scf.if %cond3A_64 {
      %dma_wait3A = arith.constant 0 : i32
      %dma_wait3A_65 = tpu.memref_slice %arg6[%rem3A_0, %dma_wait3A] : memref<2x4x!tpu.dma_semaphore, #tpu.memory_space<semaphore_mem>> -> memref<1x1x!tpu.dma_semaphore, #tpu.memory_space<semaphore_mem>>
      %dma_wait3A_66 = tpu.memref_squeeze %dma_wait3A_65 : memref<1x1x!tpu.dma_semaphore, #tpu.memory_space<semaphore_mem>> -> memref<!tpu.dma_semaphore, #tpu.memory_space<semaphore_mem>>
      %dma_wait3A_67 = arith.constant 0 : i32
      %dma_wait3A_68 = arith.constant 0 : i32
      %dma_wait3A_69 = tpu.memref_slice %arg4[%dma_wait3A_67, %dma_wait3A_68] : memref<4096x100000xbf16, #tpu.memory_space<any>> -> memref<1024x512xbf16, #tpu.memory_space<any>>
      %dma_wait3A_70 = arith.constant 0 : i32
      %dma_wait3A_71 = arith.constant 0 : i32
      %dma_wait3A_72 = tpu.memref_slice %arg5[%rem3A_0, %dma_wait3A_70, %dma_wait3A_71] : memref<2x4096x512xbf16, #tpu.memory_space<vmem>> -> memref<1x1024x512xbf16, #tpu.memory_space<vmem>>
      %dma_wait3A_73 = tpu.memref_squeeze %dma_wait3A_72 : memref<1x1024x512xbf16, #tpu.memory_space<vmem>> -> memref<1024x512xbf16, #tpu.memory_space<vmem>>
      tpu.wait_dma2 semaphore(%dma_wait3A_66 : memref<!tpu.dma_semaphore, #tpu.memory_space<semaphore_mem>>) src(%dma_wait3A_73 : memref<1024x512xbf16, #tpu.memory_space<vmem>>) dst(%dma_wait3A_69 : memref<1024x512xbf16, #tpu.memory_space<any>>)
      %dma_wait3A_74 = arith.constant 1 : i32
      %dma_wait3A_75 = tpu.memref_slice %arg6[%rem3A_0, %dma_wait3A_74] : memref<2x4x!tpu.dma_semaphore, #tpu.memory_space<semaphore_mem>> -> memref<1x1x!tpu.dma_semaphore, #tpu.memory_space<semaphore_mem>>
      %dma_wait3A_76 = tpu.memref_squeeze %dma_wait3A_75 : memref<1x1x!tpu.dma_semaphore, #tpu.memory_space<semaphore_mem>> -> memref<!tpu.dma_semaphore, #tpu.memory_space<semaphore_mem>>
      %dma_wait3A_77 = arith.constant 1024 : i32
      %dma_wait3A_78 = arith.constant 0 : i32
      %dma_wait3A_79 = tpu.memref_slice %arg4[%dma_wait3A_77, %dma_wait3A_78] : memref<4096x100000xbf16, #tpu.memory_space<any>> -> memref<1024x512xbf16, #tpu.memory_space<any>>
      %dma_wait3A_80 = arith.constant 1024 : i32
      %dma_wait3A_81 = arith.constant 0 : i32
      %dma_wait3A_82 = tpu.memref_slice %arg5[%rem3A_0, %dma_wait3A_80, %dma_wait3A_81] : memref<2x4096x512xbf16, #tpu.memory_space<vmem>> -> memref<1x1024x512xbf16, #tpu.memory_space<vmem>>
      %dma_wait3A_83 = tpu.memref_squeeze %dma_wait3A_82 : memref<1x1024x512xbf16, #tpu.memory_space<vmem>> -> memref<1024x512xbf16, #tpu.memory_space<vmem>>
      tpu.wait_dma2 semaphore(%dma_wait3A_76 : memref<!tpu.dma_semaphore, #tpu.memory_space<semaphore_mem>>) src(%dma_wait3A_83 : memref<1024x512xbf16, #tpu.memory_space<vmem>>) dst(%dma_wait3A_79 : memref<1024x512xbf16, #tpu.memory_space<any>>)
      %dma_wait3A_84 = arith.constant 2 : i32
      %dma_wait3A_85 = tpu.memref_slice %arg6[%rem3A_0, %dma_wait3A_84] : memref<2x4x!tpu.dma_semaphore, #tpu.memory_space<semaphore_mem>> -> memref<1x1x!tpu.dma_semaphore, #tpu.memory_space<semaphore_mem>>
      %dma_wait3A_86 = tpu.memref_squeeze %dma_wait3A_85 : memref<1x1x!tpu.dma_semaphore, #tpu.memory_space<semaphore_mem>> -> memref<!tpu.dma_semaphore, #tpu.memory_space<semaphore_mem>>
      %dma_wait3A_87 = arith.constant 2048 : i32
      %dma_wait3A_88 = arith.constant 0 : i32
      %dma_wait3A_89 = tpu.memref_slice %arg4[%dma_wait3A_87, %dma_wait3A_88] : memref<4096x100000xbf16, #tpu.memory_space<any>> -> memref<1024x512xbf16, #tpu.memory_space<any>>
      %dma_wait3A_90 = arith.constant 2048 : i32
      %dma_wait3A_91 = arith.constant 0 : i32
      %dma_wait3A_92 = tpu.memref_slice %arg5[%rem3A_0, %dma_wait3A_90, %dma_wait3A_91] : memref<2x4096x512xbf16, #tpu.memory_space<vmem>> -> memref<1x1024x512xbf16, #tpu.memory_space<vmem>>
      %dma_wait3A_93 = tpu.memref_squeeze %dma_wait3A_92 : memref<1x1024x512xbf16, #tpu.memory_space<vmem>> -> memref<1024x512xbf16, #tpu.memory_space<vmem>>
      tpu.wait_dma2 semaphore(%dma_wait3A_86 : memref<!tpu.dma_semaphore, #tpu.memory_space<semaphore_mem>>) src(%dma_wait3A_93 : memref<1024x512xbf16, #tpu.memory_space<vmem>>) dst(%dma_wait3A_89 : memref<1024x512xbf16, #tpu.memory_space<any>>)
      %dma_wait3A_94 = arith.constant 3 : i32
      %dma_wait3A_95 = tpu.memref_slice %arg6[%rem3A_0, %dma_wait3A_94] : memref<2x4x!tpu.dma_semaphore, #tpu.memory_space<semaphore_mem>> -> memref<1x1x!tpu.dma_semaphore, #tpu.memory_space<semaphore_mem>>
      %dma_wait3A_96 = tpu.memref_squeeze %dma_wait3A_95 : memref<1x1x!tpu.dma_semaphore, #tpu.memory_space<semaphore_mem>> -> memref<!tpu.dma_semaphore, #tpu.memory_space<semaphore_mem>>
      %dma_wait3A_97 = arith.constant 3072 : i32
      %dma_wait3A_98 = arith.constant 0 : i32
      %dma_wait3A_99 = tpu.memref_slice %arg4[%dma_wait3A_97, %dma_wait3A_98] : memref<4096x100000xbf16, #tpu.memory_space<any>> -> memref<1024x512xbf16, #tpu.memory_space<any>>
      %dma_wait3A_100 = arith.constant 3072 : i32
      %dma_wait3A_101 = arith.constant 0 : i32
      %dma_wait3A_102 = tpu.memref_slice %arg5[%rem3A_0, %dma_wait3A_100, %dma_wait3A_101] : memref<2x4096x512xbf16, #tpu.memory_space<vmem>> -> memref<1x1024x512xbf16, #tpu.memory_space<vmem>>
      %dma_wait3A_103 = tpu.memref_squeeze %dma_wait3A_102 : memref<1x1024x512xbf16, #tpu.memory_space<vmem>> -> memref<1024x512xbf16, #tpu.memory_space<vmem>>
      tpu.wait_dma2 semaphore(%dma_wait3A_96 : memref<!tpu.dma_semaphore, #tpu.memory_space<semaphore_mem>>) src(%dma_wait3A_103 : memref<1024x512xbf16, #tpu.memory_space<vmem>>) dst(%dma_wait3A_99 : memref<1024x512xbf16, #tpu.memory_space<any>>)
      %sub3A = arith.constant 1 : i32
      %sub3A_104 = arith.subi %sub3A, %rem3A_0 : i32
      %dma_wait3A_105 = arith.constant 0 : i32
      %dma_wait3A_106 = tpu.memref_slice %arg6[%sub3A_104, %dma_wait3A_105] : memref<2x4x!tpu.dma_semaphore, #tpu.memory_space<semaphore_mem>> -> memref<1x1x!tpu.dma_semaphore, #tpu.memory_space<semaphore_mem>>
      %dma_wait3A_107 = tpu.memref_squeeze %dma_wait3A_106 : memref<1x1x!tpu.dma_semaphore, #tpu.memory_space<semaphore_mem>> -> memref<!tpu.dma_semaphore, #tpu.memory_space<semaphore_mem>>
      %dma_wait3A_108 = arith.constant 0 : i32
      %dma_wait3A_109 = arith.constant 0 : i32
      %dma_wait3A_110 = tpu.memref_slice %arg4[%dma_wait3A_108, %dma_wait3A_109] : memref<4096x100000xbf16, #tpu.memory_space<any>> -> memref<1024x512xbf16, #tpu.memory_space<any>>
      %dma_wait3A_111 = arith.constant 0 : i32
      %dma_wait3A_112 = arith.constant 0 : i32
      %dma_wait3A_113 = tpu.memref_slice %arg5[%sub3A_104, %dma_wait3A_111, %dma_wait3A_112] : memref<2x4096x512xbf16, #tpu.memory_space<vmem>> -> memref<1x1024x512xbf16, #tpu.memory_space<vmem>>
      %dma_wait3A_114 = tpu.memref_squeeze %dma_wait3A_113 : memref<1x1024x512xbf16, #tpu.memory_space<vmem>> -> memref<1024x512xbf16, #tpu.memory_space<vmem>>
      tpu.wait_dma2 semaphore(%dma_wait3A_107 : memref<!tpu.dma_semaphore, #tpu.memory_space<semaphore_mem>>) src(%dma_wait3A_114 : memref<1024x512xbf16, #tpu.memory_space<vmem>>) dst(%dma_wait3A_110 : memref<1024x512xbf16, #tpu.memory_space<any>>)
      %sub3A_115 = arith.constant 1 : i32
      %sub3A_116 = arith.subi %sub3A_115, %rem3A_0 : i32
      %dma_wait3A_117 = arith.constant 1 : i32
      %dma_wait3A_118 = tpu.memref_slice %arg6[%sub3A_116, %dma_wait3A_117] : memref<2x4x!tpu.dma_semaphore, #tpu.memory_space<semaphore_mem>> -> memref<1x1x!tpu.dma_semaphore, #tpu.memory_space<semaphore_mem>>
      %dma_wait3A_119 = tpu.memref_squeeze %dma_wait3A_118 : memref<1x1x!tpu.dma_semaphore, #tpu.memory_space<semaphore_mem>> -> memref<!tpu.dma_semaphore, #tpu.memory_space<semaphore_mem>>
      %dma_wait3A_120 = arith.constant 1024 : i32
      %dma_wait3A_121 = arith.constant 0 : i32
      %dma_wait3A_122 = tpu.memref_slice %arg4[%dma_wait3A_120, %dma_wait3A_121] : memref<4096x100000xbf16, #tpu.memory_space<any>> -> memref<1024x512xbf16, #tpu.memory_space<any>>
      %dma_wait3A_123 = arith.constant 1024 : i32
      %dma_wait3A_124 = arith.constant 0 : i32
      %dma_wait3A_125 = tpu.memref_slice %arg5[%sub3A_116, %dma_wait3A_123, %dma_wait3A_124] : memref<2x4096x512xbf16, #tpu.memory_space<vmem>> -> memref<1x1024x512xbf16, #tpu.memory_space<vmem>>
      %dma_wait3A_126 = tpu.memref_squeeze %dma_wait3A_125 : memref<1x1024x512xbf16, #tpu.memory_space<vmem>> -> memref<1024x512xbf16, #tpu.memory_space<vmem>>
      tpu.wait_dma2 semaphore(%dma_wait3A_119 : memref<!tpu.dma_semaphore, #tpu.memory_space<semaphore_mem>>) src(%dma_wait3A_126 : memref<1024x512xbf16, #tpu.memory_space<vmem>>) dst(%dma_wait3A_122 : memref<1024x512xbf16, #tpu.memory_space<any>>)
      %sub3A_127 = arith.constant 1 : i32
      %sub3A_128 = arith.subi %sub3A_127, %rem3A_0 : i32
      %dma_wait3A_129 = arith.constant 2 : i32
      %dma_wait3A_130 = tpu.memref_slice %arg6[%sub3A_128, %dma_wait3A_129] : memref<2x4x!tpu.dma_semaphore, #tpu.memory_space<semaphore_mem>> -> memref<1x1x!tpu.dma_semaphore, #tpu.memory_space<semaphore_mem>>
      %dma_wait3A_131 = tpu.memref_squeeze %dma_wait3A_130 : memref<1x1x!tpu.dma_semaphore, #tpu.memory_space<semaphore_mem>> -> memref<!tpu.dma_semaphore, #tpu.memory_space<semaphore_mem>>
      %dma_wait3A_132 = arith.constant 2048 : i32
      %dma_wait3A_133 = arith.constant 0 : i32
      %dma_wait3A_134 = tpu.memref_slice %arg4[%dma_wait3A_132, %dma_wait3A_133] : memref<4096x100000xbf16, #tpu.memory_space<any>> -> memref<1024x512xbf16, #tpu.memory_space<any>>
      %dma_wait3A_135 = arith.constant 2048 : i32
      %dma_wait3A_136 = arith.constant 0 : i32
      %dma_wait3A_137 = tpu.memref_slice %arg5[%sub3A_128, %dma_wait3A_135, %dma_wait3A_136] : memref<2x4096x512xbf16, #tpu.memory_space<vmem>> -> memref<1x1024x512xbf16, #tpu.memory_space<vmem>>
      %dma_wait3A_138 = tpu.memref_squeeze %dma_wait3A_137 : memref<1x1024x512xbf16, #tpu.memory_space<vmem>> -> memref<1024x512xbf16, #tpu.memory_space<vmem>>
      tpu.wait_dma2 semaphore(%dma_wait3A_131 : memref<!tpu.dma_semaphore, #tpu.memory_space<semaphore_mem>>) src(%dma_wait3A_138 : memref<1024x512xbf16, #tpu.memory_space<vmem>>) dst(%dma_wait3A_134 : memref<1024x512xbf16, #tpu.memory_space<any>>)
      %sub3A_139 = arith.constant 1 : i32
      %sub3A_140 = arith.subi %sub3A_139, %rem3A_0 : i32
      %dma_wait3A_141 = arith.constant 3 : i32
      %dma_wait3A_142 = tpu.memref_slice %arg6[%sub3A_140, %dma_wait3A_141] : memref<2x4x!tpu.dma_semaphore, #tpu.memory_space<semaphore_mem>> -> memref<1x1x!tpu.dma_semaphore, #tpu.memory_space<semaphore_mem>>
      %dma_wait3A_143 = tpu.memref_squeeze %dma_wait3A_142 : memref<1x1x!tpu.dma_semaphore, #tpu.memory_space<semaphore_mem>> -> memref<!tpu.dma_semaphore, #tpu.memory_space<semaphore_mem>>
      %dma_wait3A_144 = arith.constant 3072 : i32
      %dma_wait3A_145 = arith.constant 0 : i32
      %dma_wait3A_146 = tpu.memref_slice %arg4[%dma_wait3A_144, %dma_wait3A_145] : memref<4096x100000xbf16, #tpu.memory_space<any>> -> memref<1024x512xbf16, #tpu.memory_space<any>>
      %dma_wait3A_147 = arith.constant 3072 : i32
      %dma_wait3A_148 = arith.constant 0 : i32
      %dma_wait3A_149 = tpu.memref_slice %arg5[%sub3A_140, %dma_wait3A_147, %dma_wait3A_148] : memref<2x4096x512xbf16, #tpu.memory_space<vmem>> -> memref<1x1024x512xbf16, #tpu.memory_space<vmem>>
      %dma_wait3A_150 = tpu.memref_squeeze %dma_wait3A_149 : memref<1x1024x512xbf16, #tpu.memory_space<vmem>> -> memref<1024x512xbf16, #tpu.memory_space<vmem>>
      tpu.wait_dma2 semaphore(%dma_wait3A_143 : memref<!tpu.dma_semaphore, #tpu.memory_space<semaphore_mem>>) src(%dma_wait3A_150 : memref<1024x512xbf16, #tpu.memory_space<vmem>>) dst(%dma_wait3A_146 : memref<1024x512xbf16, #tpu.memory_space<any>>)
    } else {
    }
    return
  }
  func.func @transform_0(%arg0: i32) -> (i32, i32) {
    %c0_i32 = arith.constant 0 : i32
    %c0_i32_0 = arith.constant 0 : i32
    %c0_i32_1 = arith.constant 0 : i32
    return %c0_i32, %c0_i32_0 : i32, i32
  }
  func.func @transform_1(%arg0: i32) -> (i32, i32) {
    %c0_i32 = arith.constant 0 : i32
    %c0_i32_0 = arith.constant 0 : i32
    return %c0_i32, %arg0 : i32, i32
  }
  func.func @transform_2(%arg0: i32) -> (i32, i32) {
    %c0_i32 = arith.constant 0 : i32
    %c0_i32_0 = arith.constant 0 : i32
    return %c0_i32, %arg0 : i32, i32
  }
}

module attributes {stable_mosaic.version = 14 : i64} {
  func.func @_mm_tail_body(%arg0: i32, %arg1: memref<4096x100000xbf16, #tpu.memory_space<any>>, %arg2: memref<4096x300xbf16, #tpu.memory_space<vmem>>, %arg3: memref<300x512xbf16, #tpu.memory_space<vmem>>, %arg4: memref<1x512xf32, #tpu.memory_space<vmem>>, %arg5: memref<4096x512xbf16, #tpu.memory_space<vmem>>) attributes {dimension_semantics = [#tpu.dimension_semantics<arbitrary>], iteration_bounds = array<i64: 1>, scalar_prefetch = 0 : i64, scratch_operands = 0 : i64, tpu.core_type = #tpu.core_type<tc>, window_params = [{}, {pipeline_mode = #tpu.pipeline_mode<synchronous>, transform_indices = @transform_1, window_bounds = array<i64: 4096, 300>}, {transform_indices = @transform_2, window_bounds = array<i64: 300, 512>}, {transform_indices = @transform_3, window_bounds = array<i64: 1, 512>}, {transform_indices = @transform_4, window_bounds = array<i64: 4096, 512>}]} {
    %get3A = arith.constant 0 : index
    %get3A_0 = arith.constant 0 : index
    %get3A_1 = vector.load %arg2[%get3A, %get3A_0] : memref<4096x300xbf16, #tpu.memory_space<vmem>>, vector<4096x300xbf16>
    %get3A_2 = arith.constant 0 : index
    %get3A_3 = arith.constant 0 : index
    %get3A_4 = vector.load %arg3[%get3A_2, %get3A_3] : memref<300x512xbf16, #tpu.memory_space<vmem>>, vector<300x512xbf16>
    %dot_general3A = arith.constant dense<0.000000e+00> : vector<4096x512xf32>
    %dot_general3A_5 = tpu.matmul %get3A_1, %get3A_4, %dot_general3A {dimension_numbers = #tpu.dot_dimension_numbers<[1], [0], [0], [1], [0, 0, 1, 1], [], []>, transpose_lhs_hint = false} : vector<4096x300xbf16>, vector<300x512xbf16>, vector<4096x512xf32> -> vector<4096x512xf32>
    %get3A_6 = arith.constant 0 : index
    %get3A_7 = arith.constant 0 : index
    %get3A_8 = vector.load %arg4[%get3A_6, %get3A_7] : memref<1x512xf32, #tpu.memory_space<vmem>>, vector<1x512xf32>
    %add3A = vector.broadcast %get3A_8 : vector<1x512xf32> to vector<4096x512xf32>
    %add3A_9 = arith.addf %dot_general3A_5, %add3A : vector<4096x512xf32>
    %convert_element_type3A = arith.truncf %add3A_9 : vector<4096x512xf32> to vector<4096x512xbf16>
    %swap3A = arith.constant 0 : index
    %swap3A_10 = arith.constant 0 : index
    %swap3A_11 = vector.load %arg5[%swap3A, %swap3A_10] : memref<4096x512xbf16, #tpu.memory_space<vmem>>, vector<4096x512xbf16>
    tpu.vector_store %arg5[%swap3A, %swap3A_10], %convert_element_type3A {strides = array<i32>} : memref<4096x512xbf16, #tpu.memory_space<vmem>>, vector<4096x512xbf16>,
    return
  }
  func.func @transform_1(%arg0: i32) -> (i32, i32) {
    %c0_i32 = arith.constant 0 : i32
    %c0_i32_0 = arith.constant 0 : i32
    %c0_i32_1 = arith.constant 0 : i32
    return %c0_i32, %c0_i32_0 : i32, i32
  }
  func.func @transform_2(%arg0: i32) -> (i32, i32) {
    %c0_i32 = arith.constant 0 : i32
    %c195_i32 = arith.constant 195 : i32
    %c0_i32_0 = arith.constant 0 : i32
    return %c0_i32, %c195_i32 : i32, i32
  }
  func.func @transform_3(%arg0: i32) -> (i32, i32) {
    %c0_i32 = arith.constant 0 : i32
    %c195_i32 = arith.constant 195 : i32
    %c0_i32_0 = arith.constant 0 : i32
    return %c0_i32, %c195_i32 : i32, i32
  }
  func.func @transform_4(%arg0: i32) -> (i32, i32) {
    %c0_i32 = arith.constant 0 : i32
    %c195_i32 = arith.constant 195 : i32
    %c0_i32_0 = arith.constant 0 : i32
    return %c0_i32, %c195_i32 : i32, i32
  }
}

</mosaic_0001>

<sc_bundles>
// kernel: kernel.6.cloned.1.call-start
scs
__scs_entry_jumppad:
0x0: {  	(pc) =	sbr.rel $0x88, $3  }
0x1: {  	(tag) =	ssettag $0x0;
	lr =	simm.s32 $0x1  }
0x2: {  	[smem:$0x3F9D] =	sst lr;
	_ =	strace $0xD0000000  }
0x3: {  	_ = 	snop  }
0x4: {  	_ = 	snop  }
0x5: {  	_ = 	snop  }
0x6: {  	_ = 	snop  }
0x7: {  	_ = 	snop  }
__scs_overlays_trampoline_lowered:
0x8: {  	[smem:$0x3FAC] =	sst s0  }
0x9: {  	[smem:$0x3FAD] =	sst s1  }
0xa: {  	[smem:$0x3FAE] =	sst s2  }
0xb: {  	[smem:$0x3FAF] =	sst s3  }
0xc: {  	[smem:$0x3FB0] =	sst s4  }
0xd: {  	[smem:$0x3FB1] =	sst s5  }
0xe: {  	[smem:$0x3FB2] =	sst s6  }
0xf: {  	[smem:$0x3FB3] =	sst s7  }
0x10: {  	[smem:$0x3FB4] =	sst s8  }
0x11: {  	[smem:$0x3FB5] =	sst s9;
	s0 =	simm.s32 @!p0 $0x0  }
0x12: {  	s1 =	sld [smem:$0x3F9B];
	s0 =	simm.s32 @p0 $0x1  }
0x13: {  	[smem:$0x3FB6] =	sst s0;
	s0 =	simm.s32 @!p1 $0x0  }
0x14: {  	s2 =	sld [smem:$0x3F9A];
	s0 =	simm.s32 @p1 $0x1  }
0x15: {  	[smem:$0x3FB7] =	sst s0;
	s0 =	simm.s32 @!p2 $0x0  }
0x16: {  	s3 =	sld [smem:$0x3FDB];
	s0 =	simm.s32 @p2 $0x1  }
0x17: {  	s4 =	simm.s32 $0x1BF5;
	[smem:$0x3FB9] =	sst s0  }
0x18: {  	s0 =	sld [smem:$0x3F9C];
	_ =	swait.ge [sflag:s4], $0x0  }
0x19: {  	s7 =	sld [smem:$0x3F9D]  }
0x1a: {  	s8 =	sadd.s32 $0xFFFFE003, lr  }
0x1b: {  	s9 =	sadd.s32 $0xFFFFFEF7, lr;
	s5 =	simm.s32 $0xFFFFFFFF;
	p2 =	slt.u32 s8, $0xFFFFF086  }
0x1c: {  	p1 =	slt.u32 s9, $0xF7A;
	s5 =	simm.s32 @!p2 $0x0  }
0x1d: {  	s5 =	simm.s32 @p1 $0x1;
	p0 =	seq.s32 s7, s2  }
0x1e: {  	s7 =	smul.u32 @!p0 $0xF7A, s2;
	p2 =	seq.s32 @!p0 s5, $0x0  }
0x1f: {  	s9 =	smul.u32 $0xF7A, s1;
	s8 =	simm.s32 @!p0 $0x1BF5;
	p2 =	por !p2, p0  }
0x20: {  	[sflag:s8] =	ssyncset.s32 @!p0 $0xFFFFF086;
	s6 =	sadd.s32 @!p0 s3, s7;
	s7 =	simm.s32 @!p0 $0x108  }
0x21: {  	s3 =	sadd.s32 s3, s9;
	s6 =	sadd.s32 @!p0 $0x88, s6;
	s7 =	simm.s32 @p2 $0x1082  }
0x22: {  	[simem:s7], [sflag:s8] =	dma.local @!p0 [hbm:s6], $0xF7A  }
0x23: {  	s9 =	sor.u32 $0xD0000000, s2;
	s6 =	simm.s32 $0x108;
	_ =	swait.ge @!p0 [sflag:s8], $0x0  }
0x24: {  	s3 =	sadd.s32 $0x88, s3;
	s6 =	simm.s32 @!p1 $0x1082;
	[sflag:s4] =	ssyncset.s32 $0xFFFFF086  }
0x25: {  	[simem:s6], [sflag:s4] =	dma.local [hbm:s3], $0xF7A  }
0x26: {  	[smem:$0x3F9D] =	sst s1;
	(tag) =	ssettag s2;
	_ =	strace s9  }
0x27: {  	s1 =	sld [smem:$0x3FAD]  }
0x28: {  	s2 =	sld [smem:$0x3FAE]  }
0x29: {  	s4 =	sld [smem:$0x3FB0]  }
0x2a: {  	p0 =	seq.s32 s5, $0x0;
	s5 =	sld [smem:$0x3FB1]  }
0x2b: {  	s6 =	sld [smem:$0x3FB2]  }
0x2c: {  	s7 =	sld [smem:$0x3FB3]  }
0x2d: {  	s3 =	simm.s32 $0x108;
	s8 =	sld [smem:$0x3FB4]  }
0x2e: {  	s3 =	simm.s32 @!p0 $0x1082;
	s9 =	sld [smem:$0x3FB5]  }
0x2f: {  	lr =	sadd.s32 s0, s3;
	s0 =	sld [smem:$0x3FAC]  }
0x30: {  	s3 =	sld [smem:$0x3FAF]  }
0x31: {  	[smem:$0x3FB8] =	sst s10  }
0x32: {  	s10 =	sld [smem:$0x3FB6];
	_ =	sdelay $0x3  }
0x33: {  	p0 =	seq.s32 s10, $0x1;
	s10 =	sld [smem:$0x3FB8];
	_ =	sdelay $0x3  }
0x34: {  	[smem:$0x3FB8] =	sst s10  }
0x35: {  	s10 =	sld [smem:$0x3FB7];
	_ =	sdelay $0x3  }
0x36: {  	p1 =	seq.s32 s10, $0x1;
	s10 =	sld [smem:$0x3FB8];
	_ =	sdelay $0x3  }
0x37: {  	[smem:$0x3FB8] =	sst s10  }
0x38: {  	s10 =	sld [smem:$0x3FB9]  }
0x39: {  	_ = 	snop;
	(pc) =	sbr.ind lr, $3  }
0x3a: {  	_ = 	snop  }
0x3b: {  	_ = 	snop  }
0x3c: {  	p2 =	seq.s32 s10, $0x1;
	s10 =	sld [smem:$0x3FB8]  }
0x3d: {  	_ =	shalt  }
0x3e: {  	_ =	shalt  }
0x3f: {  	_ =	shalt  }
0x40: {  	_ =	shalt  }
0x41: {  	_ =	shalt  }
0x42: {  	_ =	shalt  }
0x43: {  	_ =	shalt  }
0x44: {  	_ =	shalt  }
0x45: {  	_ =	shalt  }
0x46: {  	_ =	shalt  }
0x47: {  	_ =	shalt  }
0x48: {  	_ =	shalt  }
0x49: {  	_ =	shalt  }
0x4a: {  	_ =	shalt  }
0x4b: {  	_ =	shalt  }
0x4c: {  	_ =	shalt  }
0x4d: {  	_ =	shalt  }
0x4e: {  	_ =	shalt  }
0x4f: {  	_ =	shalt  }
0x50: {  	_ =	shalt  }
0x51: {  	_ =	shalt  }
0x52: {  	_ =	shalt  }
0x53: {  	_ =	shalt  }
0x54: {  	_ =	shalt  }
0x55: {  	_ =	shalt  }
0x56: {  	_ =	shalt  }
0x57: {  	_ =	shalt  }
0x58: {  	_ =	shalt  }
0x59: {  	_ =	shalt  }
0x5a: {  	_ =	shalt  }
0x5b: {  	_ =	shalt  }
0x5c: {  	_ =	shalt  }
0x5d: {  	_ =	shalt  }
0x5e: {  	_ =	shalt  }
0x5f: {  	_ =	shalt  }
0x60: {  	_ =	shalt  }
0x61: {  	_ =	shalt  }
0x62: {  	_ =	shalt  }
0x63: {  	_ =	shalt  }
0x64: {  	_ =	shalt  }
0x65: {  	_ =	shalt  }
0x66: {  	_ =	shalt  }
0x67: {  	_ =	shalt  }
0x68: {  	_ =	shalt  }
0x69: {  	_ =	shalt  }
0x6a: {  	_ =	shalt  }
0x6b: {  	_ =	shalt  }
0x6c: {  	_ =	shalt  }
0x6d: {  	_ =	shalt  }
0x6e: {  	_ =	shalt  }
0x6f: {  	_ =	shalt  }
0x70: {  	_ =	shalt  }
0x71: {  	_ =	shalt  }
0x72: {  	_ =	shalt  }
0x73: {  	_ =	shalt  }
0x74: {  	_ =	shalt  }
0x75: {  	_ =	shalt  }
0x76: {  	_ =	shalt  }
0x77: {  	_ =	shalt  }
0x78: {  	_ =	shalt  }
0x79: {  	_ =	shalt  }
0x7a: {  	_ =	shalt  }
0x7b: {  	_ =	shalt  }
0x7c: {  	_ =	shalt  }
0x7d: {  	_ =	shalt  }
0x7e: {  	_ =	shalt  }
0x7f: {  	_ =	shalt  }
0x80: {  	_ =	shalt  }
0x81: {  	_ =	shalt  }
0x82: {  	_ =	shalt  }
0x83: {  	_ =	shalt  }
0x84: {  	_ =	shalt  }
0x85: {  	_ =	shalt  }
0x86: {  	_ =	shalt  }
0x87: {  	_ =	shalt  }
.Lfunc_end0:
.L_simem_size_0:
called_computation_lowered:
.L_overlay_start_0:
0x88: {  	s2 =	sld [smem:$0x3FD9]  }
0x89: {  	s3 =	sld [smem:$0x3FFE];
	_ =	sdelay $0x1  }
0x8a: {  	s1 =	srdreg.scid  }
0x8b: {  	s0 =	sand.u32 $0x1, s1  }
0x8c: {  	s17 =	sshll.u32 s0, $0xA;
	s2 =	sadd.s32 s3, s2  }
0x8d: {  	s2 =	sadd.s32 s2, s17  }
0x8e: {  	[smem:$0x3FC4] =	sst s2  }
0x8f: {  	_ = 	snop  }
0x90: {  	s2 =	sld [smem:$0x3FD0];
	(tm) =	ssettm $0x1  }
0x91: {  	s18 =	sld [smem:$0x3FFB];
	_ =	sdelay $0x3  }
0x92: {  	_ =	strace s18  }
0x93: {  	s3 =	sld [smem:$0x3FFC];
	_ =	sdelay $0x3  }
0x94: {  	_ =	strace s3  }
0x95: {  	s3 =	sld [smem:$0x3FFD];
	_ =	sdelay $0x3  }
0x96: {  	_ =	strace s3  }
0x97: {  	_ =	strace $0x8FFFFFFF  }
0x98: {  	s19 =	sld [smem:$0x3FDB];
	_ =	sdelay $0x1  }
0x99: {  	s4 =	simm.s32 $_scs_section_size  }
0x9a: {  	s5 =	simm.s32 $_size__tile_overlayer_lowered;
	s6 =	simm.s32 $_tile_overlayer_lowered  }
0x9b: {  	s22 =	simm.s32 $0x1BFF;
	s21 =	sshll.u32 s6, $0x1;
	s3 =	sadd.s32 s4, s19  }
0x9c: {  	s7 =	simm.s32 $0x0;
	s20 =	sshll.u32 s5, $0x1;
	s5 =	sadd.s32 s21, s3  }
0x9d: {  	[timem:s7], [sflag:s22] =	dma.local [hbm:s5], s20  }
0x9e: {  	_ =	swait.ge [sflag:s22], s20  }
0x9f: {  	s4 =	ssub.s32 $0x0, s20;
	[sflag:s22] =	ssyncset.done $0x0  }
0xa0: {  	[sflag:s22] =	ssyncadd.s32 s4;
	_ =	sdelay $0x1  }
0xa1: {  	s23 =	simm.s32 $0x1B8B  }
0xa2: {  	_ =	swait.ge [sflag:s23], $0x1  }
0xa3: {  	[sflag:s23] =	ssyncset.done $0x0  }
0xa4: {  	s25 =	simm.s32 $0x1B8E;
	s24 =	sld [smem:$0x3FFE];
	[sflag:s23] =	ssyncadd.s32 $0xFFFFFFFF  }
0xa5: {  	s26 =	simm.s32 $execute0_lowered;
	[smem:$0x3FD2] =	sst s25  }
0xa6: {  	s5 =	sshll.u32 s26, $0x1;
	_ =	strace $0x80000046;
	[dreg:$0x1] =	wrdreg $0xFFFFFFFF  }
0xa7: {  	s28 =	simm.s32 $_size_execute0_lowered;
	s3 =	sadd.s32 s3, s5;
	[dreg:$0x0] =	wrdreg $0x0  }
0xa8: {  	s5 =	sshll.u32 s28, $0x1;
	[dreg:$0x2] =	wrdreg s3  }
0xa9: {  	[dreg:$0x3] =	wrdreg s5  }
0xaa: {  	[dreg:$0x4] =	wrdreg $0xC0  }
0xab: {  	_ =	task [dreg:s7], $0x5FFFF  }
0xac: {  	[dreg:$0x1] =	wrdreg $0xFFFFFFFF  }
0xad: {  	[dreg:$0x0] =	wrdreg $0x60  }
0xae: {  	[dreg:$0x2] =	wrdreg s24  }
0xaf: {  	[dreg:$0x3] =	wrdreg s2  }
0xb0: {  	[dreg:$0x4] =	wrdreg $0xA1000  }
0xb1: {  	[dreg:$0x5] =	wrdreg $0x9  }
0xb2: {  	_ =	task.clear_ibuf [dreg:s7], $0x6FFFF;
	_ =	strace $0x90000046  }
0xb3: {  	s29 =	simm.s32 $0x9;
	_ =	strace $0x80000048  }
0xb4: {  	_ =	swait.ge [sflag:s29], $0x1  }
0xb5: {  	[sflag:s29] =	ssyncadd.s32 $0xFFFFFFFF  }
0xb6: {  	_ =	strace $0x90000048  }
0xb7: {  	_ =	sfence  }
0xb8: {  	s30 =	sld [smem:$0x0];
	_ =	sdelay $0x2  }
0xb9: {  	s31 =	sshll.u32 s1, $0xD;
	s1 =	sshrl.u32 s1, $0x2  }
0xba: {  	s3 =	sand.u32 $0x4000, s31;
	s1 =	sadd.s32 s1, s30  }
0xbb: {  	s0 =	sor.u32 s3, s0;
	s1 =	sshll.u32 s1, $0x11  }
0xbc: {  	s0 =	sor.u32 s1, s0  }
0xbd: {  	s0 =	sadd.s32 $0x8F2B, s0  }
0xbe: {  	[sflag:s0] =	ssyncadd.remote.s32 $0x1  }
0xbf: {  	_ =	sfence.sel $0xFFFF  }
0xc0: {  	[dreg:$0x0] =	wrdreg $0xFFFFFFFF;
	(pc) =	sbr.abs _section_cstart, $3  }
0xc1: {  	[dreg:$0x1] =	wrdreg $0xFFFFFFFF  }
0xc2: {  	_ =	task.clear_ibuf [dreg:s7], $0x2FFFF;
	_ =	strace $0x9FFFFFFF  }
0xc3: {  	(tm) =	ssettm $0x7FFFFFFF  }
tec
execute0_lowered:
.L_overlay_start_1:
0x0: {  	(tag) =	ssettag $0x1  }
0x1: {  	s6 =	rddreg [dreg:$0x0];
	s1 =	srdreg.scid  }
0x2: {  	s0 =	stileid.u32;
	s2 =	rddreg [dreg:$0x1]  }
0x3: {  	s3 =	rddreg [dreg:$0x2];
	s4 =	simm.s32 $0x0;
	s13 =	simm.s32 $0x80  }
0x4: {  	s14 =	simm.s32 $0x100;
	s15 =	simm.s32 $0x1;
	s7 =	smul.u32 $0xA00, s0  }
0x5: {  	s5 =	sand.u32 $0x1, s1;
	s1 =	rddreg [dreg:$0x3];
	s9 =	smul.u32 $0x140, s0  }
0x6: {  	s16 =	simm.s32 $0x0;
	[smem:$0x7FF] =	sst s4;
	s28 =	smul.u32 $0x28000, s0  }
0x7: {  	s31 =	sshll.u32 s0, $0x6;
	s8 =	smul.u32 $0xA000, s5;
	s24 =	sshll.u32 s5, $0x4  }
0x8: {  	_ =	strace $0x80000047;
	s26 =	ssub.s32 $0x2, s5;
	s5 =	sadd.s32 $0x4600, s6  }
0x9: {  	s11 =	sadd.s32 s9, s6;
	s7 =	sadd.s32 s7, s8;
	s8 =	sor.u32 s0, s24  }
0xa: {  	s29 =	sshrl.u32 s26, $0x1;
	s30 =	sshrl.u32 s28, $0x2;
	s25 =	smul.u32 $0x1400, s8  }
0xb: {  	s12 =	sadd.s32 s30, s3;
	s7 =	sshrl.u32 s7, $0x3;
	s8 =	ssub.s32 s26, s29  }
0xc: {  	s10 =	sadd.s32 s7, s6;
	s8 =	smax.u32 s8, $0x1;
	s7 =	sadd.s32 s25, s6  }
0xd: {  	s6 =	sor.u32 $0x1C02, s31;
	s9 =	sadd.s32 $0x1E00, s10;
	s10 =	sadd.s32 $0xA00, s11  }
0xe: {  	s11 =	sshrl.u32 s12, $0x3;
	s12 =	simm.s32 $0x2;
	s7 =	sadd.s32 $0x5A00, s7  }
.LBB2_1:
0xf: {  	[spmem:s11], [sflag:s6] =	dma.local [hbm:s5], $0x1400  }
0x10: {  	_ =	swait.ge [sflag:s12], $0x1400  }
0x11: {  	[sflag:s12] =	ssyncset.done $0x0  }
0x12: {  	[sflag:s12] =	ssyncadd.s32 $0xFFFFEC00  }
0x13: {  	s17 =	sadd.s32 $0x0, s9;
	[bflag:$0x0] =	sbarrier.arrive $0xFFFF  }
0x14: {  	[tilespmem:s4], [sflag:$0x2] =	stream.linear.gather [hbm4b:s17+s4], $0x80, $0x38;
	[tilespmem:$0x14100] =	vst v63  }
0x15: {  	_ =	swait.ge [sflag:s12], $0x80  }
0x16: {  	[sflag:s12] =	ssyncset.done $0x0  }
0x17: {  	s31 =	sadd.s32 $0x0, s10;
	[sflag:s12] =	ssyncadd.s32 $0xFFFFFF80  }
0x18: {  	[tilespmem:s13], [sflag:$0x2] =	stream.linear.gather [hbm4b:s31+s4], $0x80, $0x38;
	[tilespmem:$0x14100] =	vst v63  }
0x19: {  	_ =	swait.ge [sflag:s12], $0x80  }
0x1a: {  	[sflag:s12] =	ssyncset.done $0x0  }
0x1b: {  	[sflag:s12] =	ssyncadd.s32 $0xFFFFFF80  }
0x1c: {  	[tilespmem:s14], [sflag:$0x1] =	stream.indirect.gather [hbm4b:s2+s13], $0x140, s4, s13, $0xb8;
	[tilespmem:$0x14100] =	vst v63  }
0x1d: {  	_ =	swait.ge [sflag:s15], $0xA000  }
0x1e: {  	[sflag:s15] =	ssyncset.done $0x0  }
0x1f: {  	[sflag:s15] =	ssyncadd.s32 $0xFFFF6000  }
0x20: {  	[spmem:s3] =	stream.indirect.scatter.add.f32 [tilespmem:s14], [sflag:$0x2], $0x140, s13, s13, $0xb8;
	[tilespmem:$0x14100] =	vst v63  }
0x21: {  	_ =	swait.ge [sflag:s12], $0xA000  }
0x22: {  	s18 =	simm.s32 $0x20;
	s17 =	simm.s32 $0x10;
	[sflag:s12] =	ssyncset.done $0x0  }
.LBB2_2:
0x23: {  	s19 =	sadd.s32 s17, s9  }
0x24: {  	[sflag:s12] =	ssyncadd.s32 $0xFFFF6000;
	s20 =	smov.u32 s18;
	s21 =	sadd.s32 $0x10, s18  }
0x25: {  	[tilespmem:s4], [sflag:$0x2] =	stream.linear.gather [hbm4b:s19+s4], $0x80, $0x38;
	[tilespmem:$0x14100] =	vst v63  }
0x26: {  	p0 =	sne.s32 s18, $0x130;
	_ =	swait.ge [sflag:s12], $0x80  }
0x27: {  	[sflag:s12] =	ssyncset.done $0x0  }
0x28: {  	s18 =	sadd.s32 s17, s10;
	s17 =	smov.u32 s20;
	[sflag:s12] =	ssyncadd.s32 $0xFFFFFF80  }
0x29: {  	[tilespmem:s13], [sflag:$0x2] =	stream.linear.gather [hbm4b:s18+s4], $0x80, $0x38;
	[tilespmem:$0x14100] =	vst v63  }
0x2a: {  	_ =	swait.ge [sflag:s12], $0x80  }
0x2b: {  	[sflag:s12] =	ssyncset.done $0x0  }
0x2c: {  	[sflag:s12] =	ssyncadd.s32 $0xFFFFFF80  }
0x2d: {  	[tilespmem:s14], [sflag:$0x1] =	stream.indirect.gather [hbm4b:s2+s13], $0x140, s4, s13, $0xb8;
	[tilespmem:$0x14100] =	vst v63  }
0x2e: {  	_ =	swait.ge [sflag:s15], $0xA000  }
.Ltmp0:
0x2f: {  	[sflag:s15] =	ssyncset.done $0x0;
	(pc) =	sbr.rel @p0 .LBB2_2-.Ltmp0, $4  }
0x30: {  	[sflag:s15] =	ssyncadd.s32 $0xFFFF6000  }
0x31: {  	[spmem:s3] =	stream.indirect.scatter.add.f32 [tilespmem:s14], [sflag:$0x2], $0x140, s13, s13, $0xb8;
	[tilespmem:$0x14100] =	vst v63  }
0x32: {  	_ =	swait.ge [sflag:s12], $0xA000  }
0x33: {  	s18 =	smov.u32 s21;
	[sflag:s12] =	ssyncset.done $0x0  }
0x34: {  	s18 =	sadd.s32 s17, s9;
	[sflag:s12] =	ssyncadd.s32 $0xFFFF6000  }
0x35: {  	[tilespmem:s4], [sflag:$0x2] =	stream.linear.gather [hbm4b:s18+s4], $0x80, $0x38;
	[tilespmem:$0x14100] =	vst v63  }
0x36: {  	_ =	swait.ge [sflag:s12], $0x80  }
0x37: {  	[sflag:s12] =	ssyncset.done $0x0  }
0x38: {  	s31 =	sadd.s32 s17, s10;
	[sflag:s12] =	ssyncadd.s32 $0xFFFFFF80  }
0x39: {  	[tilespmem:s13], [sflag:$0x2] =	stream.linear.gather [hbm4b:s31+s4], $0x80, $0x38;
	[tilespmem:$0x14100] =	vst v63  }
0x3a: {  	_ =	swait.ge [sflag:s12], $0x80  }
0x3b: {  	[sflag:s12] =	ssyncset.done $0x0  }
0x3c: {  	[sflag:s12] =	ssyncadd.s32 $0xFFFFFF80  }
0x3d: {  	[tilespmem:s14], [sflag:$0x1] =	stream.indirect.gather [hbm4b:s2+s13], $0x140, s4, s13, $0xb8;
	[tilespmem:$0x14100] =	vst v63  }
0x3e: {  	_ =	swait.ge [sflag:s15], $0xA000  }
0x3f: {  	[sflag:s15] =	ssyncset.done $0x0  }
0x40: {  	[sflag:s15] =	ssyncadd.s32 $0xFFFF6000  }
0x41: {  	[spmem:s3] =	stream.indirect.scatter.add.f32 [tilespmem:s14], [sflag:$0x2], $0x140, s13, s13, $0xb8;
	[tilespmem:$0x14100] =	vst v63  }
0x42: {  	_ =	swait.ge [sflag:s12], $0xA000  }
0x43: {  	s16 =	sadd.s32 $0x1, s16;
	[sflag:s12] =	ssyncset.done $0x0  }
0x44: {  	p0 =	sne.s32 s16, s8;
	[sflag:s12] =	ssyncadd.s32 $0xFFFF6000  }
.Ltmp1:
0x45: {  	[bflag:$0x0] =	sbarrier.arrive $0xFFFF;
	(pc) =	sbr.rel @p0 .LBB2_1-.Ltmp1, $4  }
0x46: {  	[hbm:s7], [sflag:s6] =	dma.local [spmem:s11], $0x1400  }
0x47: {  	_ =	swait.ge [sflag:s12], $0x1400  }
0x48: {  	[sflag:s12] =	ssyncset.done $0x0  }
0x49: {  	[sflag:s12] =	ssyncadd.s32 $0xFFFFEC00  }
0x4a: {  	_ =	sfence.sel $0x180000  }
0x4b: {  	[bflag:$0x0] =	sbarrier.arrive $0xFFFF  }
0x4c: {  	p0 =	sne.s32 s0, $0x0;
	_ =	strace $0x90000047  }
0x4d: {  	s0 =	sadd.s32 @!p0 $0x100000, s1;
	[bflag:$0x2] =	sbarrier.arrive $0xFFFF  }
0x4e: {  	[sflag:s0] =	ssyncadd.tile.s32 @!p0 $0x1;
	_ =	shalt  }
.Lfunc_end2:
_tile_overlayer_lowered:
.L_overlay_start_2:
0x4f: {  	(tag) =	ssettag $0x2  }
0x50: {  	s0 =	rddreg [dreg:$0x0];
	s2 =	stileid.u32  }
0x51: {  	s1 =	rddreg [dreg:$0x1];
	p0 =	sne.s32 s2, $0x0  }
0x52: {  	s3 =	rddreg [dreg:$0x2];
	[bflag:$0x3] =	sbarrier.arrive $0xFFFF;
	s2 =	simm.s32 @!p0 $0x1C02  }
0x53: {  	[timem:s3], [sflag:s2] =	dma.local @!p0 [hbm:s0], s1  }
0x54: {  	s0 =	simm.s32 @!p0 $0x2  }
0x55: {  	_ =	swait.ge @!p0 [sflag:s0], s1  }
0x56: {  	s1 =	ssub.s32 @!p0 $0x0, s1;
	[sflag:s0] =	ssyncset.done @!p0 $0x0  }
0x57: {  	[sflag:s0] =	ssyncadd.s32 @!p0 s1  }
0x58: {  	[bflag:$0x3] =	sbarrier.arrive $0xFFFF  }
0x59: {  	_ =	shalt  }

</sc_bundles>
